<compile_context>
chip_gen: v7x
topology: tpu7x:2x2x1
jax: 0.10.2.dev20260603
libtpu: 0.0.44.dev20260713+nightly
codegen_flags: <defaults>
</compile_context>

<pallas_src>
import functools

import jax
import jax.numpy as jnp
from jax import lax
from jax.experimental import pallas as pl
from jax.experimental.pallas import tpu as pltpu
from jax.experimental.pallas import tpu_sc as plsc

B, T, V = 16, 16, 100000
C, K = 4, 8
NUM_TOK = C * K


def _gather_sc(table_flat, tok_flat):
    info = plsc.get_sparse_core_info()
    nc, ns = info.num_cores, info.num_subcores
    nw = nc * ns
    rows = B * T
    rows_per_w = rows // nw
    per_w = rows_per_w * NUM_TOK

    mesh = plsc.VectorSubcoreMesh(core_axis_name="c", subcore_axis_name="s")

    @functools.partial(
        pl.kernel,
        mesh=mesh,
        out_type=jax.ShapeDtypeStruct((rows * NUM_TOK,), jnp.float32),
        scratch_types=[
            pltpu.VMEM((NUM_TOK,), jnp.int32),
            pltpu.VMEM((per_w,), jnp.int32),
            pltpu.VMEM((per_w,), jnp.float32),
            pltpu.SemaphoreType.DMA,
        ],
    )
    def k(table_hbm, tok_hbm, out_hbm, tok_v, idx_v, rows_v, sem):
        wid = lax.axis_index("s") * nc + lax.axis_index("c")
        pltpu.sync_copy(tok_hbm, tok_v)
        base_row = wid * rows_per_w
        for r in range(rows_per_w):
            off = (base_row + r) * V
            for h in range(NUM_TOK // 16):
                chunk = tok_v[pl.ds(h * 16, 16)]
                idx_v[pl.ds(r * NUM_TOK + h * 16, 16)] = chunk + off
        pltpu.async_copy(table_hbm.at[idx_v], rows_v, sem).wait()
        pltpu.sync_copy(rows_v, out_hbm.at[pl.ds(wid * per_w, per_w)])

    return k(table_flat, tok_flat)


TS = 2
TB = T // TS


def _softmax_combine_body(x_ref, g_ref, o_ref):
    s = pl.program_id(1)
    x = x_ref[0]
    e = jnp.exp(x)
    denom = jnp.sum(e, axis=1, keepdims=True)
    p = jnp.exp(g_ref[0]) / denom
    sel = (
        lax.broadcasted_iota(jnp.int32, (NUM_TOK, C), 0) // K
        == lax.broadcasted_iota(jnp.int32, (NUM_TOK, C), 1)
    ).astype(jnp.float32)
    acc = jnp.dot(p, sel, preferred_element_type=jnp.float32)
    part = jnp.sum(acc, axis=0) * (1.0 / (T * K))

    @pl.when(s == 0)
    def _init():
        o_ref[0, 0] = part

    @pl.when(s != 0)
    def _acc():
        o_ref[0, 0] += part


def _softmax_combine(lm_logits, g, interpret=False):
    out = pl.pallas_call(
        _softmax_combine_body,
        grid=(B, TS),
        in_specs=[
            pl.BlockSpec((1, TB, V), lambda b, s: (b, s, 0)),
            pl.BlockSpec((1, TB, NUM_TOK), lambda b, s: (b, s, 0)),
        ],
        out_specs=pl.BlockSpec((1, 1, C), lambda b, s: (b, 0, 0)),
        out_shape=jax.ShapeDtypeStruct((B, 1, C), jnp.float32),
        interpret=interpret,
    )(lm_logits, g)
    return out.reshape(B, C)


def kernel(lm_logits, token_ids):
    tok_flat = token_ids.reshape(-1)
    g = _gather_sc(lm_logits.reshape(-1), tok_flat).reshape(B, T, NUM_TOK)
    return _softmax_combine(lm_logits, g)

# --- scband reference (transcript-rebuilt; emitter-appended) ---
"""Pipeline reference for scband-fixed-verbalizer-35923106463840 (READ-ONLY COPY).

The authoritative reference and input builder live on the scoring server;
editing this copy changes nothing except your own understanding.
"""

import jax, jax.numpy as jnp
import numpy as np

TOKEN_IDS = np.array([
    [101, 523, 947, 1311, 2048, 4096, 8192, 16384],
    [201, 623, 1047, 1411, 2148, 4196, 8292, 16484],
    [301, 723, 1147, 1511, 2248, 4296, 8392, 16584],
    [401, 823, 1247, 1611, 2348, 4396, 8492, 16684],
], dtype=np.int32)  # [num_classes=4, tokens_per_class=8], all < vocab_size=100000


def setup_inputs(seed: int = 0) -> dict:
    key = jax.random.key(seed)
    lm_logits = jax.random.normal(key, (16, 16, 100000), dtype=jnp.float32)
    token_ids = jnp.asarray(TOKEN_IDS)
    return {"lm_logits": lm_logits, "token_ids": token_ids}


def reference(lm_logits, token_ids):
    # softmax over vocab dim, exactly as nn.Softmax(dim=-1)
    probs = jax.nn.softmax(lm_logits, axis=-1)  # [B, T, V]
    # gather per-class verbalizer token probabilities: [B, T, C, K]
    token_probs = probs[..., token_ids]
    # mean over sequence dim T and token-set dim K -> [B, C]
    class_logits = token_probs.mean(axis=(1, 3))
    return class_logits

if __name__ == "__main__":
    import jax
    _d = setup_inputs()
    print(jax.jit(kernel)(*tuple(_d.values())))

</pallas_src>

<mosaic_0001>
#map = affine_map<(d0, d1) -> (0)>
module attributes {stable_mosaic.version = 14 : i64} {
  func.func @k(%arg0: i32, %arg1: i32, %arg2: memref<25600000xf32, #tpu.memory_space<hbm>>, %arg3: memref<32xi32, #tpu.memory_space<hbm>>, %arg4: memref<8192xf32, #tpu.memory_space<hbm>>, %arg5: memref<32xi32, #tpu.memory_space<vmem>>, %arg6: memref<256xi32, #tpu.memory_space<vmem>>, %arg7: memref<256xf32, #tpu.memory_space<vmem>>, %arg8: memref<!tpu.dma_semaphore, #tpu.memory_space<semaphore_mem>>) attributes {dimension_semantics = [#tpu.dimension_semantics<core_parallel>, #tpu.dimension_semantics<subcore_parallel>], iteration_bounds = array<i64: 2, 16>, scalar_prefetch = 0 : i64, scratch_operands = 4 : i64, tpu.core_type = #tpu.core_type<sc_vector_subcore>, window_params = [{transform_indices = #map}, {transform_indices = #map}, {transform_indices = #map}]} {
    %mul3A = arith.constant 2 : i32
    %mul3A_0 = arith.muli %arg1, %mul3A : i32
    %add3A = arith.addi %mul3A_0, %arg0 : i32
    "tpu.region"() ({
      %run_scoped3A = tpu.sem_alloc : memref<!tpu.dma_semaphore, #tpu.memory_space<semaphore_mem>>
      tpu.enqueue_dma source(%arg3 : memref<32xi32, #tpu.memory_space<hbm>>) target(%arg5 : memref<32xi32, #tpu.memory_space<vmem>>) target_semaphore(%run_scoped3A : memref<!tpu.dma_semaphore, #tpu.memory_space<semaphore_mem>>)
      tpu.wait_dma2 semaphore(%run_scoped3A : memref<!tpu.dma_semaphore, #tpu.memory_space<semaphore_mem>>) src(%arg3 : memref<32xi32, #tpu.memory_space<hbm>>) dst(%arg5 : memref<32xi32, #tpu.memory_space<vmem>>)
      tpu.yield
    }) : () -> ()
    %mul3A_1 = arith.constant 8 : i32
    %mul3A_2 = arith.muli %add3A, %mul3A_1 : i32
    %add3A_3 = arith.constant 0 : i32
    %add3A_4 = arith.addi %mul3A_2, %add3A_3 : i32
    %mul3A_5 = arith.constant 100000 : i32
    %mul3A_6 = arith.muli %add3A_4, %mul3A_5 : i32
    %get3A = arith.constant 0 : index
    %get3A_7 = tpu.vector_load %arg5[%get3A] {strides = array<i32>} : memref<32xi32, #tpu.memory_space<vmem>>, vector<16xi32>,
    %get3A_8 = vector.shape_cast %get3A_7 : vector<16xi32> to vector<16xi32>
    %add3A_9 = vector.broadcast %mul3A_6 : i32 to vector<16xi32>
    %add3A_10 = arith.addi %get3A_8, %add3A_9 : vector<16xi32>
    %swap3A = arith.constant 0 : index
    %swap3A_11 = tpu.vector_load %arg6[%swap3A] {strides = array<i32>} : memref<256xi32, #tpu.memory_space<vmem>>, vector<16xi32>,
    %swap3A_12 = vector.shape_cast %swap3A_11 : vector<16xi32> to vector<16xi32>
    %swap3A_13 = vector.shape_cast %add3A_10 : vector<16xi32> to vector<16xi32>
    tpu.vector_store %arg6[%swap3A], %swap3A_13 {strides = array<i32>} : memref<256xi32, #tpu.memory_space<vmem>>, vector<16xi32>,
    %get3A_14 = arith.constant 16 : index
    %get3A_15 = tpu.vector_load %arg5[%get3A_14] {strides = array<i32>} : memref<32xi32, #tpu.memory_space<vmem>>, vector<16xi32>,
    %get3A_16 = vector.shape_cast %get3A_15 : vector<16xi32> to vector<16xi32>
    %add3A_17 = vector.broadcast %mul3A_6 : i32 to vector<16xi32>
    %add3A_18 = arith.addi %get3A_16, %add3A_17 : vector<16xi32>
    %swap3A_19 = arith.constant 16 : index
    %swap3A_20 = tpu.vector_load %arg6[%swap3A_19] {strides = array<i32>} : memref<256xi32, #tpu.memory_space<vmem>>, vector<16xi32>,
    %swap3A_21 = vector.shape_cast %swap3A_20 : vector<16xi32> to vector<16xi32>
    %swap3A_22 = vector.shape_cast %add3A_18 : vector<16xi32> to vector<16xi32>
    tpu.vector_store %arg6[%swap3A_19], %swap3A_22 {strides = array<i32>} : memref<256xi32, #tpu.memory_space<vmem>>, vector<16xi32>,
    %add3A_23 = arith.constant 1 : i32
    %add3A_24 = arith.addi %mul3A_2, %add3A_23 : i32
    %mul3A_25 = arith.constant 100000 : i32
    %mul3A_26 = arith.muli %add3A_24, %mul3A_25 : i32
    %get3A_27 = arith.constant 0 : index
    %get3A_28 = tpu.vector_load %arg5[%get3A_27] {strides = array<i32>} : memref<32xi32, #tpu.memory_space<vmem>>, vector<16xi32>,
    %get3A_29 = vector.shape_cast %get3A_28 : vector<16xi32> to vector<16xi32>
    %add3A_30 = vector.broadcast %mul3A_26 : i32 to vector<16xi32>
    %add3A_31 = arith.addi %get3A_29, %add3A_30 : vector<16xi32>
    %swap3A_32 = arith.constant 32 : index
    %swap3A_33 = tpu.vector_load %arg6[%swap3A_32] {strides = array<i32>} : memref<256xi32, #tpu.memory_space<vmem>>, vector<16xi32>,
    %swap3A_34 = vector.shape_cast %swap3A_33 : vector<16xi32> to vector<16xi32>
    %swap3A_35 = vector.shape_cast %add3A_31 : vector<16xi32> to vector<16xi32>
    tpu.vector_store %arg6[%swap3A_32], %swap3A_35 {strides = array<i32>} : memref<256xi32, #tpu.memory_space<vmem>>, vector<16xi32>,
    %get3A_36 = arith.constant 16 : index
    %get3A_37 = tpu.vector_load %arg5[%get3A_36] {strides = array<i32>} : memref<32xi32, #tpu.memory_space<vmem>>, vector<16xi32>,
    %get3A_38 = vector.shape_cast %get3A_37 : vector<16xi32> to vector<16xi32>
    %add3A_39 = vector.broadcast %mul3A_26 : i32 to vector<16xi32>
    %add3A_40 = arith.addi %get3A_38, %add3A_39 : vector<16xi32>
    %swap3A_41 = arith.constant 48 : index
    %swap3A_42 = tpu.vector_load %arg6[%swap3A_41] {strides = array<i32>} : memref<256xi32, #tpu.memory_space<vmem>>, vector<16xi32>,
    %swap3A_43 = vector.shape_cast %swap3A_42 : vector<16xi32> to vector<16xi32>
    %swap3A_44 = vector.shape_cast %add3A_40 : vector<16xi32> to vector<16xi32>
    tpu.vector_store %arg6[%swap3A_41], %swap3A_44 {strides = array<i32>} : memref<256xi32, #tpu.memory_space<vmem>>, vector<16xi32>,
    %add3A_45 = arith.constant 2 : i32
    %add3A_46 = arith.addi %mul3A_2, %add3A_45 : i32
    %mul3A_47 = arith.constant 100000 : i32
    %mul3A_48 = arith.muli %add3A_46, %mul3A_47 : i32
    %get3A_49 = arith.constant 0 : index
    %get3A_50 = tpu.vector_load %arg5[%get3A_49] {strides = array<i32>} : memref<32xi32, #tpu.memory_space<vmem>>, vector<16xi32>,
    %get3A_51 = vector.shape_cast %get3A_50 : vector<16xi32> to vector<16xi32>
    %add3A_52 = vector.broadcast %mul3A_48 : i32 to vector<16xi32>
    %add3A_53 = arith.addi %get3A_51, %add3A_52 : vector<16xi32>
    %swap3A_54 = arith.constant 64 : index
    %swap3A_55 = tpu.vector_load %arg6[%swap3A_54] {strides = array<i32>} : memref<256xi32, #tpu.memory_space<vmem>>, vector<16xi32>,
    %swap3A_56 = vector.shape_cast %swap3A_55 : vector<16xi32> to vector<16xi32>
    %swap3A_57 = vector.shape_cast %add3A_53 : vector<16xi32> to vector<16xi32>
    tpu.vector_store %arg6[%swap3A_54], %swap3A_57 {strides = array<i32>} : memref<256xi32, #tpu.memory_space<vmem>>, vector<16xi32>,
    %get3A_58 = arith.constant 16 : index
    %get3A_59 = tpu.vector_load %arg5[%get3A_58] {strides = array<i32>} : memref<32xi32, #tpu.memory_space<vmem>>, vector<16xi32>,
    %get3A_60 = vector.shape_cast %get3A_59 : vector<16xi32> to vector<16xi32>
    %add3A_61 = vector.broadcast %mul3A_48 : i32 to vector<16xi32>
    %add3A_62 = arith.addi %get3A_60, %add3A_61 : vector<16xi32>
    %swap3A_63 = arith.constant 80 : index
    %swap3A_64 = tpu.vector_load %arg6[%swap3A_63] {strides = array<i32>} : memref<256xi32, #tpu.memory_space<vmem>>, vector<16xi32>,
    %swap3A_65 = vector.shape_cast %swap3A_64 : vector<16xi32> to vector<16xi32>
    %swap3A_66 = vector.shape_cast %add3A_62 : vector<16xi32> to vector<16xi32>
    tpu.vector_store %arg6[%swap3A_63], %swap3A_66 {strides = array<i32>} : memref<256xi32, #tpu.memory_space<vmem>>, vector<16xi32>,
    %add3A_67 = arith.constant 3 : i32
    %add3A_68 = arith.addi %mul3A_2, %add3A_67 : i32
    %mul3A_69 = arith.constant 100000 : i32
    %mul3A_70 = arith.muli %add3A_68, %mul3A_69 : i32
    %get3A_71 = arith.constant 0 : index
    %get3A_72 = tpu.vector_load %arg5[%get3A_71] {strides = array<i32>} : memref<32xi32, #tpu.memory_space<vmem>>, vector<16xi32>,
    %get3A_73 = vector.shape_cast %get3A_72 : vector<16xi32> to vector<16xi32>
    %add3A_74 = vector.broadcast %mul3A_70 : i32 to vector<16xi32>
    %add3A_75 = arith.addi %get3A_73, %add3A_74 : vector<16xi32>
    %swap3A_76 = arith.constant 96 : index
    %swap3A_77 = tpu.vector_load %arg6[%swap3A_76] {strides = array<i32>} : memref<256xi32, #tpu.memory_space<vmem>>, vector<16xi32>,
    %swap3A_78 = vector.shape_cast %swap3A_77 : vector<16xi32> to vector<16xi32>
    %swap3A_79 = vector.shape_cast %add3A_75 : vector<16xi32> to vector<16xi32>
    tpu.vector_store %arg6[%swap3A_76], %swap3A_79 {strides = array<i32>} : memref<256xi32, #tpu.memory_space<vmem>>, vector<16xi32>,
    %get3A_80 = arith.constant 16 : index
    %get3A_81 = tpu.vector_load %arg5[%get3A_80] {strides = array<i32>} : memref<32xi32, #tpu.memory_space<vmem>>, vector<16xi32>,
    %get3A_82 = vector.shape_cast %get3A_81 : vector<16xi32> to vector<16xi32>
    %add3A_83 = vector.broadcast %mul3A_70 : i32 to vector<16xi32>
    %add3A_84 = arith.addi %get3A_82, %add3A_83 : vector<16xi32>
    %swap3A_85 = arith.constant 112 : index
    %swap3A_86 = tpu.vector_load %arg6[%swap3A_85] {strides = array<i32>} : memref<256xi32, #tpu.memory_space<vmem>>, vector<16xi32>,
    %swap3A_87 = vector.shape_cast %swap3A_86 : vector<16xi32> to vector<16xi32>
    %swap3A_88 = vector.shape_cast %add3A_84 : vector<16xi32> to vector<16xi32>
    tpu.vector_store %arg6[%swap3A_85], %swap3A_88 {strides = array<i32>} : memref<256xi32, #tpu.memory_space<vmem>>, vector<16xi32>,
    %add3A_89 = arith.constant 4 : i32
    %add3A_90 = arith.addi %mul3A_2, %add3A_89 : i32
    %mul3A_91 = arith.constant 100000 : i32
    %mul3A_92 = arith.muli %add3A_90, %mul3A_91 : i32
    %get3A_93 = arith.constant 0 : index
    %get3A_94 = tpu.vector_load %arg5[%get3A_93] {strides = array<i32>} : memref<32xi32, #tpu.memory_space<vmem>>, vector<16xi32>,
    %get3A_95 = vector.shape_cast %get3A_94 : vector<16xi32> to vector<16xi32>
    %add3A_96 = vector.broadcast %mul3A_92 : i32 to vector<16xi32>
    %add3A_97 = arith.addi %get3A_95, %add3A_96 : vector<16xi32>
    %swap3A_98 = arith.constant 128 : index
    %swap3A_99 = tpu.vector_load %arg6[%swap3A_98] {strides = array<i32>} : memref<256xi32, #tpu.memory_space<vmem>>, vector<16xi32>,
    %swap3A_100 = vector.shape_cast %swap3A_99 : vector<16xi32> to vector<16xi32>
    %swap3A_101 = vector.shape_cast %add3A_97 : vector<16xi32> to vector<16xi32>
    tpu.vector_store %arg6[%swap3A_98], %swap3A_101 {strides = array<i32>} : memref<256xi32, #tpu.memory_space<vmem>>, vector<16xi32>,
    %get3A_102 = arith.constant 16 : index
    %get3A_103 = tpu.vector_load %arg5[%get3A_102] {strides = array<i32>} : memref<32xi32, #tpu.memory_space<vmem>>, vector<16xi32>,
    %get3A_104 = vector.shape_cast %get3A_103 : vector<16xi32> to vector<16xi32>
    %add3A_105 = vector.broadcast %mul3A_92 : i32 to vector<16xi32>
    %add3A_106 = arith.addi %get3A_104, %add3A_105 : vector<16xi32>
    %swap3A_107 = arith.constant 144 : index
    %swap3A_108 = tpu.vector_load %arg6[%swap3A_107] {strides = array<i32>} : memref<256xi32, #tpu.memory_space<vmem>>, vector<16xi32>,
    %swap3A_109 = vector.shape_cast %swap3A_108 : vector<16xi32> to vector<16xi32>
    %swap3A_110 = vector.shape_cast %add3A_106 : vector<16xi32> to vector<16xi32>
    tpu.vector_store %arg6[%swap3A_107], %swap3A_110 {strides = array<i32>} : memref<256xi32, #tpu.memory_space<vmem>>, vector<16xi32>,
    %add3A_111 = arith.constant 5 : i32
    %add3A_112 = arith.addi %mul3A_2, %add3A_111 : i32
    %mul3A_113 = arith.constant 100000 : i32
    %mul3A_114 = arith.muli %add3A_112, %mul3A_113 : i32
    %get3A_115 = arith.constant 0 : index
    %get3A_116 = tpu.vector_load %arg5[%get3A_115] {strides = array<i32>} : memref<32xi32, #tpu.memory_space<vmem>>, vector<16xi32>,
    %get3A_117 = vector.shape_cast %get3A_116 : vector<16xi32> to vector<16xi32>
    %add3A_118 = vector.broadcast %mul3A_114 : i32 to vector<16xi32>
    %add3A_119 = arith.addi %get3A_117, %add3A_118 : vector<16xi32>
    %swap3A_120 = arith.constant 160 : index
    %swap3A_121 = tpu.vector_load %arg6[%swap3A_120] {strides = array<i32>} : memref<256xi32, #tpu.memory_space<vmem>>, vector<16xi32>,
    %swap3A_122 = vector.shape_cast %swap3A_121 : vector<16xi32> to vector<16xi32>
    %swap3A_123 = vector.shape_cast %add3A_119 : vector<16xi32> to vector<16xi32>
    tpu.vector_store %arg6[%swap3A_120], %swap3A_123 {strides = array<i32>} : memref<256xi32, #tpu.memory_space<vmem>>, vector<16xi32>,
    %get3A_124 = arith.constant 16 : index
    %get3A_125 = tpu.vector_load %arg5[%get3A_124] {strides = array<i32>} : memref<32xi32, #tpu.memory_space<vmem>>, vector<16xi32>,
    %get3A_126 = vector.shape_cast %get3A_125 : vector<16xi32> to vector<16xi32>
    %add3A_127 = vector.broadcast %mul3A_114 : i32 to vector<16xi32>
    %add3A_128 = arith.addi %get3A_126, %add3A_127 : vector<16xi32>
    %swap3A_129 = arith.constant 176 : index
    %swap3A_130 = tpu.vector_load %arg6[%swap3A_129] {strides = array<i32>} : memref<256xi32, #tpu.memory_space<vmem>>, vector<16xi32>,
    %swap3A_131 = vector.shape_cast %swap3A_130 : vector<16xi32> to vector<16xi32>
    %swap3A_132 = vector.shape_cast %add3A_128 : vector<16xi32> to vector<16xi32>
    tpu.vector_store %arg6[%swap3A_129], %swap3A_132 {strides = array<i32>} : memref<256xi32, #tpu.memory_space<vmem>>, vector<16xi32>,
    %add3A_133 = arith.constant 6 : i32
    %add3A_134 = arith.addi %mul3A_2, %add3A_133 : i32
    %mul3A_135 = arith.constant 100000 : i32
    %mul3A_136 = arith.muli %add3A_134, %mul3A_135 : i32
    %get3A_137 = arith.constant 0 : index
    %get3A_138 = tpu.vector_load %arg5[%get3A_137] {strides = array<i32>} : memref<32xi32, #tpu.memory_space<vmem>>, vector<16xi32>,
    %get3A_139 = vector.shape_cast %get3A_138 : vector<16xi32> to vector<16xi32>
    %add3A_140 = vector.broadcast %mul3A_136 : i32 to vector<16xi32>
    %add3A_141 = arith.addi %get3A_139, %add3A_140 : vector<16xi32>
    %swap3A_142 = arith.constant 192 : index
    %swap3A_143 = tpu.vector_load %arg6[%swap3A_142] {strides = array<i32>} : memref<256xi32, #tpu.memory_space<vmem>>, vector<16xi32>,
    %swap3A_144 = vector.shape_cast %swap3A_143 : vector<16xi32> to vector<16xi32>
    %swap3A_145 = vector.shape_cast %add3A_141 : vector<16xi32> to vector<16xi32>
    tpu.vector_store %arg6[%swap3A_142], %swap3A_145 {strides = array<i32>} : memref<256xi32, #tpu.memory_space<vmem>>, vector<16xi32>,
    %get3A_146 = arith.constant 16 : index
    %get3A_147 = tpu.vector_load %arg5[%get3A_146] {strides = array<i32>} : memref<32xi32, #tpu.memory_space<vmem>>, vector<16xi32>,
    %get3A_148 = vector.shape_cast %get3A_147 : vector<16xi32> to vector<16xi32>
    %add3A_149 = vector.broadcast %mul3A_136 : i32 to vector<16xi32>
    %add3A_150 = arith.addi %get3A_148, %add3A_149 : vector<16xi32>
    %swap3A_151 = arith.constant 208 : index
    %swap3A_152 = tpu.vector_load %arg6[%swap3A_151] {strides = array<i32>} : memref<256xi32, #tpu.memory_space<vmem>>, vector<16xi32>,
    %swap3A_153 = vector.shape_cast %swap3A_152 : vector<16xi32> to vector<16xi32>
    %swap3A_154 = vector.shape_cast %add3A_150 : vector<16xi32> to vector<16xi32>
    tpu.vector_store %arg6[%swap3A_151], %swap3A_154 {strides = array<i32>} : memref<256xi32, #tpu.memory_space<vmem>>, vector<16xi32>,
    %add3A_155 = arith.constant 7 : i32
    %add3A_156 = arith.addi %mul3A_2, %add3A_155 : i32
    %mul3A_157 = arith.constant 100000 : i32
    %mul3A_158 = arith.muli %add3A_156, %mul3A_157 : i32
    %get3A_159 = arith.constant 0 : index
    %get3A_160 = tpu.vector_load %arg5[%get3A_159] {strides = array<i32>} : memref<32xi32, #tpu.memory_space<vmem>>, vector<16xi32>,
    %get3A_161 = vector.shape_cast %get3A_160 : vector<16xi32> to vector<16xi32>
    %add3A_162 = vector.broadcast %mul3A_158 : i32 to vector<16xi32>
    %add3A_163 = arith.addi %get3A_161, %add3A_162 : vector<16xi32>
    %swap3A_164 = arith.constant 224 : index
    %swap3A_165 = tpu.vector_load %arg6[%swap3A_164] {strides = array<i32>} : memref<256xi32, #tpu.memory_space<vmem>>, vector<16xi32>,
    %swap3A_166 = vector.shape_cast %swap3A_165 : vector<16xi32> to vector<16xi32>
    %swap3A_167 = vector.shape_cast %add3A_163 : vector<16xi32> to vector<16xi32>
    tpu.vector_store %arg6[%swap3A_164], %swap3A_167 {strides = array<i32>} : memref<256xi32, #tpu.memory_space<vmem>>, vector<16xi32>,
    %get3A_168 = arith.constant 16 : index
    %get3A_169 = tpu.vector_load %arg5[%get3A_168] {strides = array<i32>} : memref<32xi32, #tpu.memory_space<vmem>>, vector<16xi32>,
    %get3A_170 = vector.shape_cast %get3A_169 : vector<16xi32> to vector<16xi32>
    %add3A_171 = vector.broadcast %mul3A_158 : i32 to vector<16xi32>
    %add3A_172 = arith.addi %get3A_170, %add3A_171 : vector<16xi32>
    %swap3A_173 = arith.constant 240 : index
    %swap3A_174 = tpu.vector_load %arg6[%swap3A_173] {strides = array<i32>} : memref<256xi32, #tpu.memory_space<vmem>>, vector<16xi32>,
    %swap3A_175 = vector.shape_cast %swap3A_174 : vector<16xi32> to vector<16xi32>
    %swap3A_176 = vector.shape_cast %add3A_172 : vector<16xi32> to vector<16xi32>
    tpu.vector_store %arg6[%swap3A_173], %swap3A_176 {strides = array<i32>} : memref<256xi32, #tpu.memory_space<vmem>>, vector<16xi32>,
    %dma_start3A = arith.constant 0 : i32
    %dma_start3A_177 = tpu.memref_slice %arg2[%dma_start3A] : memref<25600000xf32, #tpu.memory_space<hbm>> -> memref<25600000xf32, #tpu.memory_space<hbm>>
    tpu.enqueue_indirect_dma source(%dma_start3A_177 : memref<25600000xf32, #tpu.memory_space<hbm>>) target(%arg7 : memref<256xf32, #tpu.memory_space<vmem>>) offsets(%arg6 : memref<256xi32, #tpu.memory_space<vmem>>) semaphore(%arg8 : memref<!tpu.dma_semaphore, #tpu.memory_space<semaphore_mem>>)
    %dma_wait3A = arith.constant 0 : i32
    %dma_wait3A_178 = tpu.memref_slice %arg2[%dma_wait3A] : memref<25600000xf32, #tpu.memory_space<hbm>> -> memref<25600000xf32, #tpu.memory_space<hbm>>
    tpu.wait_indirect_dma semaphore(%arg8 : memref<!tpu.dma_semaphore, #tpu.memory_space<semaphore_mem>>) src(%dma_wait3A_178 : memref<25600000xf32, #tpu.memory_space<hbm>>) dst(%arg7 : memref<256xf32, #tpu.memory_space<vmem>>)
    %mul3A_179 = arith.constant 256 : i32
    %mul3A_180 = arith.muli %add3A, %mul3A_179 : i32
    "tpu.region"() ({
      %run_scoped3A = tpu.sem_alloc : memref<!tpu.dma_semaphore, #tpu.memory_space<semaphore_mem>>
      %dma_start3A_181 = tpu.memref_slice %arg4[%mul3A_180] : memref<8192xf32, #tpu.memory_space<hbm>> -> memref<256xf32, #tpu.memory_space<hbm>>
      %dma_start3A_182 = tpu.memref_slice %arg4[%mul3A_180] : memref<8192xf32, #tpu.memory_space<hbm>> -> memref<256xf32, #tpu.memory_space<hbm>>
      tpu.enqueue_dma source(%arg7 : memref<256xf32, #tpu.memory_space<vmem>>) target(%dma_start3A_182 : memref<256xf32, #tpu.memory_space<hbm>>) target_semaphore(%run_scoped3A : memref<!tpu.dma_semaphore, #tpu.memory_space<semaphore_mem>>)
      %dma_wait3A_183 = tpu.memref_slice %arg4[%mul3A_180] : memref<8192xf32, #tpu.memory_space<hbm>> -> memref<256xf32, #tpu.memory_space<hbm>>
      %dma_wait3A_184 = tpu.memref_slice %arg4[%mul3A_180] : memref<8192xf32, #tpu.memory_space<hbm>> -> memref<256xf32, #tpu.memory_space<hbm>>
      tpu.wait_dma2 semaphore(%run_scoped3A : memref<!tpu.dma_semaphore, #tpu.memory_space<semaphore_mem>>) src(%arg7 : memref<256xf32, #tpu.memory_space<vmem>>) dst(%dma_wait3A_184 : memref<256xf32, #tpu.memory_space<hbm>>)
      tpu.yield
    }) : () -> ()
    return
  }
}

module attributes {stable_mosaic.version = 14 : i64} {
  func.func @_softmax_combine_body(%arg0: i32, %arg1: i32, %arg2: memref<1x8x100000xf32, #tpu.memory_space<vmem>>, %arg3: memref<1x8x32xf32, #tpu.memory_space<vmem>>, %arg4: memref<1x1x4xf32, #tpu.memory_space<vmem>>) attributes {dimension_semantics = [#tpu.dimension_semantics<arbitrary>, #tpu.dimension_semantics<arbitrary>], iteration_bounds = array<i64: 16, 2>, scalar_prefetch = 0 : i64, scratch_operands = 0 : i64, tpu.core_type = #tpu.core_type<tc>, window_params = [{transform_indices = @transform_0, window_bounds = array<i64: 1, 8, 100000>}, {transform_indices = @transform_1, window_bounds = array<i64: 1, 8, 32>}, {transform_indices = @transform_2, window_bounds = array<i64: 1, 1, 4>}]} {
    %get3A = arith.constant 0 : index
    %get3A_0 = arith.constant 0 : index
    %get3A_1 = arith.constant 0 : index
    %get3A_2 = vector.load %arg2[%get3A, %get3A_0, %get3A_1] : memref<1x8x100000xf32, #tpu.memory_space<vmem>>, vector<1x8x100000xf32>
    %get3A_3 = vector.shape_cast %get3A_2 : vector<1x8x100000xf32> to vector<8x100000xf32>
    %exp3A = math.exp %get3A_3 : vector<8x100000xf32>
    %reduce_sum3A = arith.constant dense<0.000000e+00> : vector<8xf32>
    %reduce_sum3A_4 = vector.multi_reduction <add>, %exp3A, %reduce_sum3A [1] : vector<8x100000xf32> to vector<8xf32>
    %broadcast_in_dim3A = vector.shape_cast %reduce_sum3A_4 : vector<8xf32> to vector<8x1xf32>
    %get3A_5 = arith.constant 0 : index
    %get3A_6 = arith.constant 0 : index
    %get3A_7 = arith.constant 0 : index
    %get3A_8 = vector.load %arg3[%get3A_5, %get3A_6, %get3A_7] : memref<1x8x32xf32, #tpu.memory_space<vmem>>, vector<1x8x32xf32>
    %get3A_9 = vector.shape_cast %get3A_8 : vector<1x8x32xf32> to vector<8x32xf32>
    %exp3A_10 = math.exp %get3A_9 : vector<8x32xf32>
    %div3A = vector.broadcast %broadcast_in_dim3A : vector<8x1xf32> to vector<8x32xf32>
    %div3A_11 = arith.divf %exp3A_10, %div3A : vector<8x32xf32>
    %iota3A = tpu.iota {dimensions = array<i32: 0>} : vector<32x4xi32>
    %jit3A = arith.constant 8 : i32
    %div3A_12 = vector.broadcast %jit3A : i32 to vector<32x4xi32>
    %div3A_13 = arith.divsi %iota3A, %div3A_12 : vector<32x4xi32>
    %sign3A = arith.constant 0 : i32
    %sign3A_14 = vector.broadcast %sign3A : i32 to vector<32x4xi32>
    %sign3A_15 = arith.cmpi sgt, %iota3A, %sign3A_14 : vector<32x4xi32>
    %sign3A_16 = arith.extui %sign3A_15 : vector<32x4xi1> to vector<32x4xi32>
    %sign3A_17 = arith.constant 0 : i32
    %sign3A_18 = vector.broadcast %sign3A_17 : i32 to vector<32x4xi32>
    %sign3A_19 = arith.cmpi slt, %iota3A, %sign3A_18 : vector<32x4xi32>
    %sign3A_20 = arith.extui %sign3A_19 : vector<32x4xi1> to vector<32x4xi32>
    %sign3A_21 = arith.subi %sign3A_16, %sign3A_20 : vector<32x4xi32>
    %sign3A_22 = arith.constant 0 : i32
    %sign3A_23 = arith.cmpi sgt, %jit3A, %sign3A_22 : i32
    %sign3A_24 = arith.extui %sign3A_23 : i1 to i32
    %sign3A_25 = arith.constant 0 : i32
    %sign3A_26 = arith.cmpi slt, %jit3A, %sign3A_25 : i32
    %sign3A_27 = arith.extui %sign3A_26 : i1 to i32
    %sign3A_28 = arith.subi %sign3A_24, %sign3A_27 : i32
    %ne3A = vector.broadcast %sign3A_28 : i32 to vector<32x4xi32>
    %ne3A_29 = arith.cmpi ne, %sign3A_21, %ne3A : vector<32x4xi32>
    %rem3A = vector.broadcast %jit3A : i32 to vector<32x4xi32>
    %rem3A_30 = arith.remsi %iota3A, %rem3A : vector<32x4xi32>
    %ne3A_31 = arith.constant 0 : i32
    %ne3A_32 = vector.broadcast %ne3A_31 : i32 to vector<32x4xi32>
    %ne3A_33 = arith.cmpi ne, %rem3A_30, %ne3A_32 : vector<32x4xi32>
    %and3A = arith.andi %ne3A_29, %ne3A_33 : vector<32x4xi1>
    %sub3A = arith.constant 1 : i32
    %sub3A_34 = vector.broadcast %sub3A : i32 to vector<32x4xi32>
    %sub3A_35 = arith.subi %div3A_13, %sub3A_34 : vector<32x4xi32>
    %select_n3A = arith.select %and3A, %sub3A_35, %div3A_13 : vector<32x4xi1>, vector<32x4xi32>
    %iota3A_36 = tpu.iota {dimensions = array<i32: 1>} : vector<32x4xi32>
    %eq3A = arith.cmpi eq, %select_n3A, %iota3A_36 : vector<32x4xi32>
    %convert_element_type3A = arith.extui %eq3A : vector<32x4xi1> to vector<32x4xi32>
    %convert_element_type3A_37 = arith.sitofp %convert_element_type3A : vector<32x4xi32> to vector<32x4xf32>
    %dot_general3A = arith.constant dense<0.000000e+00> : vector<8x4xf32>
    %dot_general3A_38 = tpu.matmul %div3A_11, %convert_element_type3A_37, %dot_general3A {dimension_numbers = #tpu.dot_dimension_numbers<[1], [0], [0], [1], [0, 0, 1, 1], [], []>, transpose_lhs_hint = false} : vector<8x32xf32>, vector<32x4xf32>, vector<8x4xf32> -> vector<8x4xf32>
    %reduce_sum3A_39 = arith.constant dense<0.000000e+00> : vector<4xf32>
    %reduce_sum3A_40 = vector.multi_reduction <add>, %dot_general3A_38, %reduce_sum3A_39 [0] : vector<8x4xf32> to vector<4xf32>
    %mul3A = arith.constant 7.812500e-03 : f32
    %mul3A_41 = vector.broadcast %mul3A : f32 to vector<4xf32>
    %mul3A_42 = arith.mulf %reduce_sum3A_40, %mul3A_41 : vector<4xf32>
    %eq3A_43 = arith.constant 0 : i32
    %eq3A_44 = arith.cmpi eq, %arg1, %eq3A_43 : i32
    %convert_element_type3A_45 = arith.extui %eq3A_44 : i1 to i32
    %cond3A = arith.constant 0 : i32
    %cond3A_46 = arith.cmpi ne, %convert_element_type3A_45, %cond3A : i32
    scf.if %cond3A_46 {
      %swap3A = arith.constant 0 : index
      %swap3A_52 = arith.constant 0 : index
      %swap3A_53 = arith.constant 0 : index
      %swap3A_54 = vector.load %arg4[%swap3A, %swap3A_52, %swap3A_53] : memref<1x1x4xf32, #tpu.memory_space<vmem>>, vector<1x1x4xf32>
      %swap3A_55 = vector.shape_cast %swap3A_54 : vector<1x1x4xf32> to vector<4xf32>
      %swap3A_56 = vector.shape_cast %mul3A_42 : vector<4xf32> to vector<1x1x4xf32>
      tpu.vector_store %arg4[%swap3A, %swap3A_52, %swap3A_53], %swap3A_56 {strides = array<i32>} : memref<1x1x4xf32, #tpu.memory_space<vmem>>, vector<1x1x4xf32>,
    } else {
    }
    %ne3A_47 = arith.constant 0 : i32
    %ne3A_48 = arith.cmpi ne, %arg1, %ne3A_47 : i32
    %convert_element_type3A_49 = arith.extui %ne3A_48 : i1 to i32
    %cond3A_50 = arith.constant 0 : i32
    %cond3A_51 = arith.cmpi ne, %convert_element_type3A_49, %cond3A_50 : i32
    scf.if %cond3A_51 {
      %get3A_52 = arith.constant 0 : index
      %get3A_53 = arith.constant 0 : index
      %get3A_54 = arith.constant 0 : index
      %get3A_55 = vector.load %arg4[%get3A_52, %get3A_53, %get3A_54] : memref<1x1x4xf32, #tpu.memory_space<vmem>>, vector<1x1x4xf32>
      %get3A_56 = vector.shape_cast %get3A_55 : vector<1x1x4xf32> to vector<4xf32>
      %add3A = arith.addf %get3A_56, %mul3A_42 : vector<4xf32>
      %swap3A = arith.constant 0 : index
      %swap3A_57 = arith.constant 0 : index
      %swap3A_58 = arith.constant 0 : index
      %swap3A_59 = vector.load %arg4[%swap3A, %swap3A_57, %swap3A_58] : memref<1x1x4xf32, #tpu.memory_space<vmem>>, vector<1x1x4xf32>
      %swap3A_60 = vector.shape_cast %swap3A_59 : vector<1x1x4xf32> to vector<4xf32>
      %swap3A_61 = vector.shape_cast %add3A : vector<4xf32> to vector<1x1x4xf32>
      tpu.vector_store %arg4[%swap3A, %swap3A_57, %swap3A_58], %swap3A_61 {strides = array<i32>} : memref<1x1x4xf32, #tpu.memory_space<vmem>>, vector<1x1x4xf32>,
    } else {
    }
    return
  }
  func.func @transform_0(%arg0: i32, %arg1: i32) -> (i32, i32, i32) {
    %c0_i32 = arith.constant 0 : i32
    %c0_i32_0 = arith.constant 0 : i32
    return %arg0, %arg1, %c0_i32 : i32, i32, i32
  }
  func.func @transform_1(%arg0: i32, %arg1: i32) -> (i32, i32, i32) {
    %c0_i32 = arith.constant 0 : i32
    %c0_i32_0 = arith.constant 0 : i32
    return %arg0, %arg1, %c0_i32 : i32, i32, i32
  }
  func.func @transform_2(%arg0: i32, %arg1: i32) -> (i32, i32, i32) {
    %c0_i32 = arith.constant 0 : i32
    %c0_i32_0 = arith.constant 0 : i32
    %c0_i32_1 = arith.constant 0 : i32
    return %arg0, %c0_i32, %c0_i32_0 : i32, i32, i32
  }
}

</mosaic_0001>

<sc_bundles>
// kernel: kernel.4.cloned.1.call-start
scs
__scs_entry_jumppad:
0x0: {  	(pc) =	sbr.rel $0x88, $3  }
0x1: {  	(tag) =	ssettag $0x0;
	lr =	simm.s32 $0x1  }
0x2: {  	[smem:$0x3F9F] =	sst lr;
	_ =	strace $0xD0000000  }
0x3: {  	_ = 	snop  }
0x4: {  	_ = 	snop  }
0x5: {  	_ = 	snop  }
0x6: {  	_ = 	snop  }
0x7: {  	_ = 	snop  }
__scs_overlays_trampoline_lowered:
0x8: {  	[smem:$0x3FAE] =	sst s0  }
0x9: {  	[smem:$0x3FAF] =	sst s1  }
0xa: {  	[smem:$0x3FB0] =	sst s2  }
0xb: {  	[smem:$0x3FB1] =	sst s3  }
0xc: {  	[smem:$0x3FB2] =	sst s4  }
0xd: {  	[smem:$0x3FB3] =	sst s5  }
0xe: {  	[smem:$0x3FB4] =	sst s6  }
0xf: {  	[smem:$0x3FB5] =	sst s7  }
0x10: {  	[smem:$0x3FB6] =	sst s8  }
0x11: {  	[smem:$0x3FB7] =	sst s9;
	s0 =	simm.s32 @!p0 $0x0  }
0x12: {  	s1 =	sld [smem:$0x3F9D];
	s0 =	simm.s32 @p0 $0x1  }
0x13: {  	[smem:$0x3FB8] =	sst s0;
	s0 =	simm.s32 @!p1 $0x0  }
0x14: {  	s2 =	sld [smem:$0x3F9C];
	s0 =	simm.s32 @p1 $0x1  }
0x15: {  	[smem:$0x3FB9] =	sst s0;
	s0 =	simm.s32 @!p2 $0x0  }
0x16: {  	s3 =	sld [smem:$0x3FDB];
	s0 =	simm.s32 @p2 $0x1  }
0x17: {  	s4 =	simm.s32 $0x1BF5;
	[smem:$0x3FBB] =	sst s0  }
0x18: {  	s0 =	sld [smem:$0x3F9E];
	_ =	swait.ge [sflag:s4], $0x0  }
0x19: {  	s7 =	sld [smem:$0x3F9F]  }
0x1a: {  	s8 =	sadd.s32 $0xFFFFE003, lr  }
0x1b: {  	s9 =	sadd.s32 $0xFFFFFEF7, lr;
	s5 =	simm.s32 $0xFFFFFFFF;
	p2 =	slt.u32 s8, $0xFFFFF086  }
0x1c: {  	p1 =	slt.u32 s9, $0xF7A;
	s5 =	simm.s32 @!p2 $0x0  }
0x1d: {  	s5 =	simm.s32 @p1 $0x1;
	p0 =	seq.s32 s7, s2  }
0x1e: {  	s7 =	smul.u32 @!p0 $0xF7A, s2;
	p2 =	seq.s32 @!p0 s5, $0x0  }
0x1f: {  	s9 =	smul.u32 $0xF7A, s1;
	s8 =	simm.s32 @!p0 $0x1BF5;
	p2 =	por !p2, p0  }
0x20: {  	[sflag:s8] =	ssyncset.s32 @!p0 $0xFFFFF086;
	s6 =	sadd.s32 @!p0 s3, s7;
	s7 =	simm.s32 @!p0 $0x108  }
0x21: {  	s3 =	sadd.s32 s3, s9;
	s6 =	sadd.s32 @!p0 $0x88, s6;
	s7 =	simm.s32 @p2 $0x1082  }
0x22: {  	[simem:s7], [sflag:s8] =	dma.local @!p0 [hbm:s6], $0xF7A  }
0x23: {  	s9 =	sor.u32 $0xD0000000, s2;
	s6 =	simm.s32 $0x108;
	_ =	swait.ge @!p0 [sflag:s8], $0x0  }
0x24: {  	s3 =	sadd.s32 $0x88, s3;
	s6 =	simm.s32 @!p1 $0x1082;
	[sflag:s4] =	ssyncset.s32 $0xFFFFF086  }
0x25: {  	[simem:s6], [sflag:s4] =	dma.local [hbm:s3], $0xF7A  }
0x26: {  	[smem:$0x3F9F] =	sst s1;
	(tag) =	ssettag s2;
	_ =	strace s9  }
0x27: {  	s1 =	sld [smem:$0x3FAF]  }
0x28: {  	s2 =	sld [smem:$0x3FB0]  }
0x29: {  	s4 =	sld [smem:$0x3FB2]  }
0x2a: {  	p0 =	seq.s32 s5, $0x0;
	s5 =	sld [smem:$0x3FB3]  }
0x2b: {  	s6 =	sld [smem:$0x3FB4]  }
0x2c: {  	s7 =	sld [smem:$0x3FB5]  }
0x2d: {  	s3 =	simm.s32 $0x108;
	s8 =	sld [smem:$0x3FB6]  }
0x2e: {  	s3 =	simm.s32 @!p0 $0x1082;
	s9 =	sld [smem:$0x3FB7]  }
0x2f: {  	lr =	sadd.s32 s0, s3;
	s0 =	sld [smem:$0x3FAE]  }
0x30: {  	s3 =	sld [smem:$0x3FB1]  }
0x31: {  	[smem:$0x3FBA] =	sst s10  }
0x32: {  	s10 =	sld [smem:$0x3FB8];
	_ =	sdelay $0x3  }
0x33: {  	p0 =	seq.s32 s10, $0x1;
	s10 =	sld [smem:$0x3FBA];
	_ =	sdelay $0x3  }
0x34: {  	[smem:$0x3FBA] =	sst s10  }
0x35: {  	s10 =	sld [smem:$0x3FB9];
	_ =	sdelay $0x3  }
0x36: {  	p1 =	seq.s32 s10, $0x1;
	s10 =	sld [smem:$0x3FBA];
	_ =	sdelay $0x3  }
0x37: {  	[smem:$0x3FBA] =	sst s10  }
0x38: {  	s10 =	sld [smem:$0x3FBB]  }
0x39: {  	_ = 	snop;
	(pc) =	sbr.ind lr, $3  }
0x3a: {  	_ = 	snop  }
0x3b: {  	_ = 	snop  }
0x3c: {  	p2 =	seq.s32 s10, $0x1;
	s10 =	sld [smem:$0x3FBA]  }
0x3d: {  	_ =	shalt  }
0x3e: {  	_ =	shalt  }
0x3f: {  	_ =	shalt  }
0x40: {  	_ =	shalt  }
0x41: {  	_ =	shalt  }
0x42: {  	_ =	shalt  }
0x43: {  	_ =	shalt  }
0x44: {  	_ =	shalt  }
0x45: {  	_ =	shalt  }
0x46: {  	_ =	shalt  }
0x47: {  	_ =	shalt  }
0x48: {  	_ =	shalt  }
0x49: {  	_ =	shalt  }
0x4a: {  	_ =	shalt  }
0x4b: {  	_ =	shalt  }
0x4c: {  	_ =	shalt  }
0x4d: {  	_ =	shalt  }
0x4e: {  	_ =	shalt  }
0x4f: {  	_ =	shalt  }
0x50: {  	_ =	shalt  }
0x51: {  	_ =	shalt  }
0x52: {  	_ =	shalt  }
0x53: {  	_ =	shalt  }
0x54: {  	_ =	shalt  }
0x55: {  	_ =	shalt  }
0x56: {  	_ =	shalt  }
0x57: {  	_ =	shalt  }
0x58: {  	_ =	shalt  }
0x59: {  	_ =	shalt  }
0x5a: {  	_ =	shalt  }
0x5b: {  	_ =	shalt  }
0x5c: {  	_ =	shalt  }
0x5d: {  	_ =	shalt  }
0x5e: {  	_ =	shalt  }
0x5f: {  	_ =	shalt  }
0x60: {  	_ =	shalt  }
0x61: {  	_ =	shalt  }
0x62: {  	_ =	shalt  }
0x63: {  	_ =	shalt  }
0x64: {  	_ =	shalt  }
0x65: {  	_ =	shalt  }
0x66: {  	_ =	shalt  }
0x67: {  	_ =	shalt  }
0x68: {  	_ =	shalt  }
0x69: {  	_ =	shalt  }
0x6a: {  	_ =	shalt  }
0x6b: {  	_ =	shalt  }
0x6c: {  	_ =	shalt  }
0x6d: {  	_ =	shalt  }
0x6e: {  	_ =	shalt  }
0x6f: {  	_ =	shalt  }
0x70: {  	_ =	shalt  }
0x71: {  	_ =	shalt  }
0x72: {  	_ =	shalt  }
0x73: {  	_ =	shalt  }
0x74: {  	_ =	shalt  }
0x75: {  	_ =	shalt  }
0x76: {  	_ =	shalt  }
0x77: {  	_ =	shalt  }
0x78: {  	_ =	shalt  }
0x79: {  	_ =	shalt  }
0x7a: {  	_ =	shalt  }
0x7b: {  	_ =	shalt  }
0x7c: {  	_ =	shalt  }
0x7d: {  	_ =	shalt  }
0x7e: {  	_ =	shalt  }
0x7f: {  	_ =	shalt  }
0x80: {  	_ =	shalt  }
0x81: {  	_ =	shalt  }
0x82: {  	_ =	shalt  }
0x83: {  	_ =	shalt  }
0x84: {  	_ =	shalt  }
0x85: {  	_ =	shalt  }
0x86: {  	_ =	shalt  }
0x87: {  	_ =	shalt  }
.Lfunc_end0:
.L_simem_size_0:
called_computation_lowered:
.L_overlay_start_0:
0x88: {  	s2 =	sld [smem:$0x3FD9]  }
0x89: {  	s3 =	sld [smem:$0x3FFE];
	_ =	sdelay $0x1  }
0x8a: {  	s1 =	srdreg.scid  }
0x8b: {  	s0 =	sand.u32 $0x1, s1  }
0x8c: {  	s17 =	sshll.u32 s0, $0xA;
	s2 =	sadd.s32 s3, s2  }
0x8d: {  	s2 =	sadd.s32 s2, s17  }
0x8e: {  	[smem:$0x3FC6] =	sst s2  }
0x8f: {  	_ = 	snop  }
0x90: {  	s2 =	sld [smem:$0x3FD0];
	(tm) =	ssettm $0x1  }
0x91: {  	s18 =	sld [smem:$0x3FFB];
	_ =	sdelay $0x3  }
0x92: {  	_ =	strace s18  }
0x93: {  	s3 =	sld [smem:$0x3FFC];
	_ =	sdelay $0x3  }
0x94: {  	_ =	strace s3  }
0x95: {  	s3 =	sld [smem:$0x3FFD];
	_ =	sdelay $0x3  }
0x96: {  	_ =	strace s3  }
0x97: {  	_ =	strace $0x8FFFFFFF  }
0x98: {  	s19 =	sld [smem:$0x3FDB];
	_ =	sdelay $0x1  }
0x99: {  	s4 =	simm.s32 $_scs_section_size  }
0x9a: {  	s5 =	simm.s32 $_size__tile_overlayer_lowered;
	s6 =	simm.s32 $_tile_overlayer_lowered  }
0x9b: {  	s22 =	simm.s32 $0x1BFF;
	s21 =	sshll.u32 s6, $0x1;
	s3 =	sadd.s32 s4, s19  }
0x9c: {  	s7 =	simm.s32 $0x0;
	s20 =	sshll.u32 s5, $0x1;
	s5 =	sadd.s32 s21, s3  }
0x9d: {  	[timem:s7], [sflag:s22] =	dma.local [hbm:s5], s20  }
0x9e: {  	_ =	swait.ge [sflag:s22], s20  }
0x9f: {  	s4 =	ssub.s32 $0x0, s20;
	[sflag:s22] =	ssyncset.done $0x0  }
0xa0: {  	[sflag:s22] =	ssyncadd.s32 s4;
	_ =	sdelay $0x1  }
0xa1: {  	s23 =	simm.s32 $0x1B8B  }
0xa2: {  	_ =	swait.ge [sflag:s23], $0x1  }
0xa3: {  	[sflag:s23] =	ssyncset.done $0x0  }
0xa4: {  	s25 =	simm.s32 $0x1B8E;
	s24 =	sld [smem:$0x3FFE];
	[sflag:s23] =	ssyncadd.s32 $0xFFFFFFFF  }
0xa5: {  	s26 =	simm.s32 $execute0_lowered;
	[smem:$0x3FD2] =	sst s25  }
0xa6: {  	s5 =	sshll.u32 s26, $0x1;
	_ =	strace $0x80000046;
	[dreg:$0x1] =	wrdreg $0xFFFFFFFF  }
0xa7: {  	s28 =	simm.s32 $_size_execute0_lowered;
	s3 =	sadd.s32 s3, s5;
	[dreg:$0x0] =	wrdreg $0x0  }
0xa8: {  	s5 =	sshll.u32 s28, $0x1;
	[dreg:$0x2] =	wrdreg s3  }
0xa9: {  	[dreg:$0x3] =	wrdreg s5  }
0xaa: {  	[dreg:$0x4] =	wrdreg $0xC0  }
0xab: {  	_ =	task [dreg:s7], $0x5FFFF  }
0xac: {  	[dreg:$0x1] =	wrdreg $0xFFFFFFFF  }
0xad: {  	[dreg:$0x0] =	wrdreg $0x60  }
0xae: {  	[dreg:$0x2] =	wrdreg s24  }
0xaf: {  	[dreg:$0x3] =	wrdreg s2  }
0xb0: {  	[dreg:$0x4] =	wrdreg $0x9  }
0xb1: {  	_ =	task.clear_ibuf [dreg:s7], $0x5FFFF;
	_ =	strace $0x90000046  }
0xb2: {  	s29 =	simm.s32 $0x9;
	_ =	strace $0x80000048  }
0xb3: {  	_ =	swait.ge [sflag:s29], $0x1  }
0xb4: {  	[sflag:s29] =	ssyncadd.s32 $0xFFFFFFFF  }
0xb5: {  	_ =	strace $0x90000048  }
0xb6: {  	_ =	sfence  }
0xb7: {  	s30 =	sld [smem:$0x0];
	_ =	sdelay $0x2  }
0xb8: {  	s31 =	sshll.u32 s1, $0xD;
	s1 =	sshrl.u32 s1, $0x2  }
0xb9: {  	s3 =	sand.u32 $0x4000, s31;
	s1 =	sadd.s32 s1, s30  }
0xba: {  	s0 =	sor.u32 s3, s0;
	s1 =	sshll.u32 s1, $0x11  }
0xbb: {  	s0 =	sor.u32 s1, s0  }
0xbc: {  	s0 =	sadd.s32 $0x8F2B, s0  }
0xbd: {  	[sflag:s0] =	ssyncadd.remote.s32 $0x1  }
0xbe: {  	_ =	sfence.sel $0xFFFF  }
0xbf: {  	[dreg:$0x0] =	wrdreg $0xFFFFFFFF;
	(pc) =	sbr.abs _section_cstart, $3  }
0xc0: {  	[dreg:$0x1] =	wrdreg $0xFFFFFFFF  }
0xc1: {  	_ =	task.clear_ibuf [dreg:s7], $0x2FFFF;
	_ =	strace $0x9FFFFFFF  }
0xc2: {  	(tm) =	ssettm $0x7FFFFFFF  }
0xc3: {  	_ =	shalt  }
tec
execute0_lowered:
.L_overlay_start_1:
0x0: {  	(tag) =	ssettag $0x1  }
0x1: {  	s4 =	rddreg [dreg:$0x0]  }
0x2: {  	s3 =	srdreg.scid;
	s1 =	stileid.u32  }
0x3: {  	s10 =	rddreg [dreg:$0x1];
	s3 =	sand.u32 $0x1, s3;
	s5 =	sshll.u32 s1, $0x1  }
0x4: {  	s0 =	rddreg [dreg:$0x2];
	s5 =	sor.u32 s3, s5;
	s7 =	ssub.s32 $0x2, s3  }
0x5: {  	s2 =	simm.s32 $0x0;
	s6 =	sshll.u32 s5, $0x5;
	s30 =	sshrl.u32 s7, $0x1  }
0x6: {  	s3 =	sadd.s32 $0x400, s4;
	s4 =	sadd.s32 s6, s4;
	s6 =	ssub.s32 s7, s30  }
0x7: {  	[smem:$0x7FF] =	sst s2;
	s5 =	smul.u32 $0xC3500, s5;
	s15 =	smax.u32 s6, $0x1  }
0x8: {  	p0 =	por $0x0, $0x0;
	_ =	strace $0x80000047;
	p1 =	sne.s32 s15, $0x1  }
.Ltmp0:
0x9: {  	s7 =	simm.s32 $0x180;
	s31 =	sadd.s32 $0x186A0, s5;
	(pc) =	sbr.rel @!p1 .LBB2_3-.Ltmp0, $4  }
0xa: {  	s8 =	sadd.s32 $0x30D40, s5;
	s9 =	sadd.s32 $0x493E0, s5;
	s11 =	sadd.s32 $0x61A80, s5  }
0xb: {  	s12 =	sadd.s32 $0x7A120, s5;
	s13 =	sadd.s32 $0x927C0, s5;
	s14 =	sadd.s32 $0xAAE60, s5;
	v0 =	vmov s5;
	v5 =	vmov s31  }
0xc: {  	s4 =	sadd.s32 $0x30D800, s4;
	s5 =	simm.s32 $0x2;
	s6 =	simm.s32 $0x100;
	v6 =	vmov s8;
	v3 =	vmov s9;
	v7 =	vmov s11  }
0xd: {  	s8 =	simm.s32 $0x80;
	v4 =	vmov s12;
	v2 =	vmov s13;
	v1 =	vmov s14;
	s9 =	simm.s32 $0x1;
	s11 =	sadd.s32 $0xFFFFFFFF, s15  }
0xe: {  	[tilespmem:s2], [sflag:$0x2] =	stream.linear.gather [hbm4b:s10+s2], $0x80, $0x38;
	[tilespmem:$0x280] =	vst v63  }
0xf: {  	_ =	swait.ge [sflag:s5], $0x80  }
0x10: {  	[sflag:s5] =	ssyncset.done $0x0  }
0x11: {  	p1 =	sne.s32 s11, $0x1;
	[sflag:s5] =	ssyncadd.s32 $0xFFFFFF80  }
.Ltmp1:
0x12: {  	v10 =	vld [tilespmem:$0x10];
	(pc) =	sbr.rel @!p1 .LBB2_3-.Ltmp1, $4  }
0x13: {  	v12 =	vld [tilespmem:$0x10]  }
0x14: {  	v11 =	vld [tilespmem:$0x0]  }
0x15: {  	v8 =	vld [tilespmem:$0x0]  }
0x16: {  	s11 =	sadd.s32 $0xFFFFFFFF, s11;
	p0 =	por $0x1, $0x1;
	v9 =	vld [tilespmem:$0x0]  }
.LBB2_2:
0x17: {  	p1 =	sne.s32 s11, $0x1;
	s11 =	sadd.s32 $0xFFFFFFFF, s11;
	v13 =	vld [tilespmem:$0x10]  }
0x18: {  	v10 =	vadd.s32 v5, v10;
	v14 =	vld [tilespmem:$0x10];
	v12 =	vadd.s32 v1, v12  }
0x19: {  	v15 =	vld [tilespmem:$0x0];
	v11 =	vadd.s32 v6, v11;
	[tilespmem:$0x170] =	vst v12  }
0x1a: {  	[tilespmem:$0xC0] =	vst v11;
	v11 =	vld [tilespmem:$0x0];
	v8 =	vadd.s32 v4, v8  }
0x1b: {  	v12 =	vld [tilespmem:$0x10];
	[tilespmem:$0xB0] =	vst v10;
	v9 =	vadd.s32 v7, v9  }
0x1c: {  	[tilespmem:$0x100] =	vst v9;
	v9 =	vadd.s32 v7, v13;
	v10 =	vld [tilespmem:$0x10]  }
0x1d: {  	v13 =	vadd.s32 v6, v14;
	v14 =	vld [tilespmem:$0x10];
	[tilespmem:$0x110] =	vst v9  }
0x1e: {  	v9 =	vld [tilespmem:$0x0];
	v15 =	vadd.s32 v5, v15;
	[tilespmem:$0xD0] =	vst v13  }
0x1f: {  	[tilespmem:$0xA0] =	vst v15;
	v11 =	vadd.s32 v3, v11;
	v13 =	vld [tilespmem:$0x0]  }
0x20: {  	v12 =	vadd.s32 v0, v12;
	[tilespmem:$0xE0] =	vst v11;
	v11 =	vld [tilespmem:$0x10]  }
0x21: {  	[tilespmem:$0x90] =	vst v12;
	v10 =	vadd.s32 v4, v10;
	v12 =	vld [tilespmem:$0x0]  }
0x22: {  	v14 =	vadd.s32 v3, v14;
	[tilespmem:$0x130] =	vst v10  }
0x23: {  	v9 =	vadd.s32 v0, v9;
	[tilespmem:$0xF0] =	vst v14  }
0x24: {  	[tilespmem:$0x120] =	vst v8;
	v8 =	vadd.s32 v2, v13  }
0x25: {  	[tilespmem:$0x140] =	vst v8;
	v8 =	vadd.s32 v2, v11  }
0x26: {  	[tilespmem:$0x80] =	vst v9;
	v9 =	vadd.s32 v1, v12  }
0x27: {  	[tilespmem:$0x150] =	vst v8  }
0x28: {  	[tilespmem:$0x160] =	vst v9  }
0x29: {  	[tilespmem:s7], [sflag:$0x1] =	stream.indirect.gather [hbm4b:s3+s6], $0x1, s8, s6, $0xb8;
	[tilespmem:$0x280] =	vst v63  }
0x2a: {  	_ =	swait.ge [sflag:s9], $0x100  }
0x2b: {  	[sflag:s9] =	ssyncset.done $0x0  }
0x2c: {  	[sflag:s9] =	ssyncadd.s32 $0xFFFFFF00  }
0x2d: {  	[hbm4b:s4+s2] =	stream.linear.scatter [tilespmem:s7], [sflag:$0x2], $0x100, $0x38;
	[tilespmem:$0x280] =	vst v63  }
0x2e: {  	_ =	swait.ge [sflag:s5], $0x100  }
0x2f: {  	[sflag:s5] =	ssyncset.done $0x0  }
0x30: {  	[sflag:s5] =	ssyncadd.s32 $0xFFFFFF00  }
0x31: {  	[tilespmem:s2], [sflag:$0x2] =	stream.linear.gather [hbm4b:s10+s2], $0x80, $0x38;
	[tilespmem:$0x280] =	vst v63  }
0x32: {  	_ =	swait.ge [sflag:s5], $0x80  }
0x33: {  	[sflag:s5] =	ssyncset.done $0x0  }
0x34: {  	[sflag:s5] =	ssyncadd.s32 $0xFFFFFF80  }
.Ltmp2:
0x35: {  	v10 =	vld [tilespmem:$0x10];
	(pc) =	sbr.rel @p1 .LBB2_2-.Ltmp2, $4  }
0x36: {  	v12 =	vld [tilespmem:$0x10]  }
0x37: {  	v11 =	vld [tilespmem:$0x0]  }
0x38: {  	v8 =	vld [tilespmem:$0x0]  }
0x39: {  	v9 =	vld [tilespmem:$0x0]  }
.LBB2_3:
0x3a: {  	v13 =	vld @p0 [tilespmem:$0x10];
	v10 =	vadd.s32 @p0 v5, v10  }
0x3b: {  	v14 =	vld @p0 [tilespmem:$0x10];
	v12 =	vadd.s32 @p0 v1, v12;
	[tilespmem:$0xB0] =	vst @p0 v10  }
0x3c: {  	v15 =	vld @p0 [tilespmem:$0x0];
	v11 =	vadd.s32 @p0 v6, v11;
	[tilespmem:$0x170] =	vst @p0 v12  }
0x3d: {  	[tilespmem:$0xC0] =	vst @p0 v11;
	v11 =	vld @p0 [tilespmem:$0x0];
	v8 =	vadd.s32 @p0 v4, v8  }
0x3e: {  	v12 =	vld @p0 [tilespmem:$0x10];
	v9 =	vadd.s32 @p0 v7, v9;
	[tilespmem:$0x120] =	vst @p0 v8  }
0x3f: {  	v10 =	vld @p0 [tilespmem:$0x10];
	[tilespmem:$0x100] =	vst @p0 v9;
	v9 =	vadd.s32 @p0 v7, v13  }
0x40: {  	v13 =	vadd.s32 @p0 v6, v14;
	v14 =	vld @p0 [tilespmem:$0x10];
	[tilespmem:$0x110] =	vst @p0 v9  }
0x41: {  	v9 =	vadd.s32 @p0 v5, v15;
	[tilespmem:$0xD0] =	vst @p0 v13;
	v13 =	vld @p0 [tilespmem:$0x0]  }
0x42: {  	[tilespmem:$0xA0] =	vst @p0 v9;
	v9 =	vadd.s32 @p0 v3, v11;
	v11 =	vld @p0 [tilespmem:$0x0]  }
0x43: {  	v12 =	vadd.s32 @p0 v0, v12;
	[tilespmem:$0xE0] =	vst @p0 v9;
	v9 =	vld @p0 [tilespmem:$0x10]  }
0x44: {  	v10 =	vadd.s32 @p0 v4, v10;
	[tilespmem:$0x90] =	vst @p0 v12;
	v12 =	vld @p0 [tilespmem:$0x0]  }
0x45: {  	[tilespmem:$0x130] =	vst @p0 v10;
	v14 =	vadd.s32 @p0 v3, v14  }
0x46: {  	[tilespmem:$0xF0] =	vst @p0 v14;
	v10 =	vadd.s32 @p0 v0, v13  }
0x47: {  	[tilespmem:$0x80] =	vst @p0 v10;
	v8 =	vadd.s32 @p0 v2, v11  }
0x48: {  	[tilespmem:$0x140] =	vst @p0 v8;
	v8 =	vadd.s32 @p0 v2, v9  }
0x49: {  	v9 =	vadd.s32 @p0 v1, v12;
	[tilespmem:$0x150] =	vst @p0 v8  }
0x4a: {  	[tilespmem:$0x160] =	vst @p0 v9  }
0x4b: {  	[tilespmem:s7], [sflag:$0x1] =	stream.indirect.gather @p0 [hbm4b:s3+s6], $0x1, s8, s6, $0xb8;
	[tilespmem:$0x280] =	vst v63  }
0x4c: {  	_ =	swait.ge @p0 [sflag:s9], $0x100  }
0x4d: {  	[sflag:s9] =	ssyncset.done @p0 $0x0  }
0x4e: {  	[sflag:s9] =	ssyncadd.s32 @p0 $0xFFFFFF00  }
0x4f: {  	[hbm4b:s4+s2] =	stream.linear.scatter @p0 [tilespmem:s7], [sflag:$0x2], $0x100, $0x38;
	[tilespmem:$0x280] =	vst v63  }
0x50: {  	_ =	swait.ge @p0 [sflag:s5], $0x100  }
0x51: {  	[sflag:s5] =	ssyncset.done @p0 $0x0  }
0x52: {  	[sflag:s5] =	ssyncadd.s32 @p0 $0xFFFFFF00  }
0x53: {  	[tilespmem:s2], [sflag:$0x2] =	stream.linear.gather [hbm4b:s10+s2], $0x80, $0x38;
	[tilespmem:$0x280] =	vst v63  }
0x54: {  	_ =	swait.ge [sflag:s5], $0x80  }
0x55: {  	[sflag:s5] =	ssyncset.done $0x0  }
0x56: {  	[sflag:s5] =	ssyncadd.s32 $0xFFFFFF80  }
0x57: {  	v36 =	vld [tilespmem:$0x10]  }
0x58: {  	v37 =	vld [tilespmem:$0x0]  }
0x59: {  	v38 =	vld [tilespmem:$0x10]  }
0x5a: {  	v39 =	vld [tilespmem:$0x0]  }
0x5b: {  	v40 =	vld [tilespmem:$0x10]  }
0x5c: {  	v41 =	vld [tilespmem:$0x10];
	v8 =	vadd.s32 v1, v36  }
0x5d: {  	v42 =	vld [tilespmem:$0x0];
	v9 =	vadd.s32 v6, v37;
	[tilespmem:$0x170] =	vst v8  }
0x5e: {  	v44 =	vld [tilespmem:$0x0];
	v43 =	vadd.s32 v5, v38;
	[tilespmem:$0xC0] =	vst v9  }
0x5f: {  	v45 =	vld [tilespmem:$0x10];
	v46 =	vadd.s32 v7, v39;
	[tilespmem:$0xB0] =	vst v43  }
0x60: {  	v50 =	vld [tilespmem:$0x10];
	v47 =	vadd.s32 v7, v40;
	[tilespmem:$0x100] =	vst v46  }
0x61: {  	v51 =	vld [tilespmem:$0x0];
	v49 =	vadd.s32 v6, v41;
	[tilespmem:$0x110] =	vst v47  }
0x62: {  	v54 =	vld [tilespmem:$0x0];
	v52 =	vadd.s32 v5, v42;
	[tilespmem:$0xD0] =	vst v49  }
0x63: {  	v55 =	vld [tilespmem:$0x0];
	v53 =	vadd.s32 v3, v44;
	[tilespmem:$0xA0] =	vst v52  }
0x64: {  	v56 =	vld [tilespmem:$0x10];
	v10 =	vadd.s32 v0, v45;
	[tilespmem:$0xE0] =	vst v53  }
0x65: {  	v57 =	vld [tilespmem:$0x0];
	v58 =	vadd.s32 v3, v50;
	[tilespmem:$0x90] =	vst v10  }
0x66: {  	v48 =	vld [tilespmem:$0x10];
	v59 =	vadd.s32 v4, v51;
	[tilespmem:$0xF0] =	vst v58  }
0x67: {  	v60 =	vadd.s32 v2, v54;
	[tilespmem:$0x120] =	vst v59  }
0x68: {  	v61 =	vadd.s32 v0, v55;
	[tilespmem:$0x140] =	vst v60  }
0x69: {  	v62 =	vadd.s32 v2, v56;
	[tilespmem:$0x80] =	vst v61  }
0x6a: {  	v63 =	vadd.s32 v1, v57;
	[tilespmem:$0x150] =	vst v62  }
0x6b: {  	v8 =	vadd.s32 v4, v48;
	[tilespmem:$0x160] =	vst v63  }
0x6c: {  	[tilespmem:$0x130] =	vst v8  }
0x6d: {  	[tilespmem:s7], [sflag:$0x1] =	stream.indirect.gather [hbm4b:s3+s6], $0x1, s8, s6, $0xb8;
	[tilespmem:$0x280] =	vst v63  }
0x6e: {  	_ =	swait.ge [sflag:s9], $0x100  }
0x6f: {  	[sflag:s9] =	ssyncset.done $0x0  }
0x70: {  	[sflag:s9] =	ssyncadd.s32 $0xFFFFFF00  }
0x71: {  	[hbm4b:s4+s2] =	stream.linear.scatter [tilespmem:s7], [sflag:$0x2], $0x100, $0x38;
	[tilespmem:$0x280] =	vst v63  }
0x72: {  	_ =	swait.ge [sflag:s5], $0x100  }
0x73: {  	[sflag:s5] =	ssyncset.done $0x0  }
0x74: {  	[sflag:s5] =	ssyncadd.s32 $0xFFFFFF00  }
0x75: {  	_ =	sfence.sel $0x180000  }
0x76: {  	[bflag:$0x0] =	sbarrier.arrive $0xFFFF  }
0x77: {  	p0 =	sne.s32 s1, $0x0;
	_ =	strace $0x90000047  }
0x78: {  	s0 =	sadd.s32 @!p0 $0x100000, s0;
	[bflag:$0x2] =	sbarrier.arrive $0xFFFF  }
0x79: {  	[sflag:s0] =	ssyncadd.tile.s32 @!p0 $0x1;
	_ =	shalt  }
.Lfunc_end2:
_tile_overlayer_lowered:
.L_overlay_start_2:
0x7a: {  	(tag) =	ssettag $0x2  }
0x7b: {  	s0 =	rddreg [dreg:$0x0];
	s2 =	stileid.u32  }
0x7c: {  	s1 =	rddreg [dreg:$0x1];
	p0 =	sne.s32 s2, $0x0  }
0x7d: {  	s3 =	rddreg [dreg:$0x2];
	[bflag:$0x3] =	sbarrier.arrive $0xFFFF;
	s2 =	simm.s32 @!p0 $0x1C02  }
0x7e: {  	[timem:s3], [sflag:s2] =	dma.local @!p0 [hbm:s0], s1  }
0x7f: {  	s0 =	simm.s32 @!p0 $0x2  }
0x80: {  	_ =	swait.ge @!p0 [sflag:s0], s1  }
0x81: {  	s1 =	ssub.s32 @!p0 $0x0, s1;
	[sflag:s0] =	ssyncset.done @!p0 $0x0  }
0x82: {  	[sflag:s0] =	ssyncadd.s32 @!p0 s1  }
0x83: {  	[bflag:$0x3] =	sbarrier.arrive $0xFFFF  }
0x84: {  	_ =	shalt  }

</sc_bundles>
